<compile_context>
chip_gen: v7x
topology: tpu7x:2x2x1
jax: 0.10.2.dev20260603
libtpu: 0.0.44.dev20260713+nightly
codegen_flags: <defaults>
</compile_context>

<pallas_src>
import functools

import jax
import jax.numpy as jnp
from jax import lax
from jax.experimental import pallas as pl
from jax.experimental.pallas import tpu as pltpu
from jax.experimental.pallas import tpu_sc as plsc

N = 100000
D = 32
NC = 2
NS = 16
NW = NC * NS
CHUNK = 128
K = 25
B_PER_W = K * CHUNK
B_PAD = NW * B_PER_W

_mesh = plsc.VectorSubcoreMesh(core_axis_name="c", subcore_axis_name="s")


@functools.partial(
    pl.kernel,
    mesh=_mesh,
    out_type=jax.ShapeDtypeStruct((NW, K, CHUNK, D), jnp.float32),
    compiler_params=pltpu.CompilerParams(use_tc_tiling_on_sc=False),
    scratch_types=[
        pltpu.VMEM((K, CHUNK), jnp.int32),
        pltpu.VMEM((K, CHUNK, D), jnp.float32),
        pltpu.SemaphoreType.DMA,
    ],
)
def _gather_kernel(idx_hbm, table_hbm, out_hbm, idx_v, rows_v, sem):
    wid = lax.axis_index("s") * NC + lax.axis_index("c")
    pltpu.sync_copy(idx_hbm.at[pl.ds(wid * K, K), :], idx_v)

    def fire(j, carry):
        pltpu.make_async_copy(table_hbm.at[idx_v.at[j]], rows_v.at[j], sem).start()
        return carry

    lax.fori_loop(0, K, fire, 0)

    def drain(j, carry):
        pltpu.make_async_copy(table_hbm.at[idx_v.at[j]], rows_v.at[j], sem).wait()
        return carry

    lax.fori_loop(0, K, drain, 0)

    pltpu.sync_copy(rows_v, out_hbm.at[wid])


def kernel(node_feature, table):
    idx = node_feature[:, 0].astype(jnp.int32)
    idx = jnp.concatenate([idx, jnp.zeros((B_PAD - N,), jnp.int32)])
    out = _gather_kernel(idx.reshape(NW * K, CHUNK), table)
    return out.reshape(B_PAD, D)[:N]

# --- scband reference (transcript-rebuilt; emitter-appended) ---
"""Pipeline reference for scband-integer-feature-encoder-19731079758634 (READ-ONLY COPY).

The authoritative reference and input builder live on the scoring server;
editing this copy changes nothing except your own understanding.
"""

import jax, jax.numpy as jnp
import numpy as np

NUM_CLASSES = 1000000
EMB_DIM = 32
N = 100000

def _xavier_uniform(key, shape):
    fan_in, fan_out = shape[1], shape[0]
    # torch xavier_uniform for Embedding weight [num_embeddings, emb_dim]:
    # fan_in = emb_dim? torch treats dim0 as fan_out... use torch convention:
    fan_out_t, fan_in_t = shape[0], shape[1]
    a = float(np.sqrt(6.0 / (fan_in_t + fan_out_t)))
    return jax.random.uniform(key, shape, minval=-a, maxval=a, dtype=jnp.float32)

def setup_inputs(seed: int = 0) -> dict:
    key = jax.random.key(seed)
    k1, k2 = jax.random.split(key)
    node_feature = jax.random.randint(k1, (N, 1), 0, NUM_CLASSES, dtype=jnp.int64)
    table = _xavier_uniform(k2, (NUM_CLASSES, EMB_DIM))
    return {"node_feature": node_feature, "table": table}

def reference(node_feature, table):
    idx = node_feature[:, 0]
    out = jnp.take(table, idx, axis=0)
    return out

if __name__ == "__main__":
    import jax
    _d = setup_inputs()
    print(jax.jit(kernel)(*tuple(_d.values())))

</pallas_src>

<mosaic_0001>
#map = affine_map<(d0, d1) -> (0, 0)>
#map1 = affine_map<(d0, d1) -> (0, 0, 0, 0)>
module attributes {stable_mosaic.version = 14 : i64} {
  func.func @_gather_kernel(%arg0: i32, %arg1: i32, %arg2: memref<800x128xi32, #tpu.memory_space<hbm>>, %arg3: memref<1000000x32xf32, #tpu.memory_space<hbm>>, %arg4: memref<32x25x128x32xf32, #tpu.memory_space<hbm>>, %arg5: memref<25x128xi32, #tpu.memory_space<vmem>>, %arg6: memref<25x128x32xf32, #tpu.memory_space<vmem>>, %arg7: memref<!tpu.dma_semaphore, #tpu.memory_space<semaphore_mem>>) attributes {dimension_semantics = [#tpu.dimension_semantics<core_parallel>, #tpu.dimension_semantics<subcore_parallel>], iteration_bounds = array<i64: 2, 16>, scalar_prefetch = 0 : i64, scratch_operands = 3 : i64, tpu.core_type = #tpu.core_type<sc_vector_subcore>, window_params = [{transform_indices = #map}, {transform_indices = #map}, {transform_indices = #map1}]} {
    %mul3A = arith.constant 2 : i32
    %mul3A_0 = arith.muli %arg1, %mul3A : i32
    %add3A = arith.addi %mul3A_0, %arg0 : i32
    %mul3A_1 = arith.constant 25 : i32
    %mul3A_2 = arith.muli %add3A, %mul3A_1 : i32
    "tpu.region"() ({
      %run_scoped3A = tpu.sem_alloc : memref<!tpu.dma_semaphore, #tpu.memory_space<semaphore_mem>>
      %dma_start3A = arith.constant 0 : i32
      %dma_start3A_14 = tpu.memref_slice %arg2[%mul3A_2, %dma_start3A] : memref<800x128xi32, #tpu.memory_space<hbm>> -> memref<25x128xi32, #tpu.memory_space<hbm>>
      %dma_start3A_15 = arith.constant 0 : i32
      %dma_start3A_16 = tpu.memref_slice %arg2[%mul3A_2, %dma_start3A_15] : memref<800x128xi32, #tpu.memory_space<hbm>> -> memref<25x128xi32, #tpu.memory_space<hbm>>
      tpu.enqueue_dma source(%dma_start3A_16 : memref<25x128xi32, #tpu.memory_space<hbm>>) target(%arg5 : memref<25x128xi32, #tpu.memory_space<vmem>>) target_semaphore(%run_scoped3A : memref<!tpu.dma_semaphore, #tpu.memory_space<semaphore_mem>>)
      %dma_wait3A = arith.constant 0 : i32
      %dma_wait3A_17 = tpu.memref_slice %arg2[%mul3A_2, %dma_wait3A] : memref<800x128xi32, #tpu.memory_space<hbm>> -> memref<25x128xi32, #tpu.memory_space<hbm>>
      %dma_wait3A_18 = arith.constant 0 : i32
      %dma_wait3A_19 = tpu.memref_slice %arg2[%mul3A_2, %dma_wait3A_18] : memref<800x128xi32, #tpu.memory_space<hbm>> -> memref<25x128xi32, #tpu.memory_space<hbm>>
      tpu.wait_dma2 semaphore(%run_scoped3A : memref<!tpu.dma_semaphore, #tpu.memory_space<semaphore_mem>>) src(%dma_wait3A_19 : memref<25x128xi32, #tpu.memory_space<hbm>>) dst(%arg5 : memref<25x128xi32, #tpu.memory_space<vmem>>)
      tpu.yield
    }) : () -> ()
    %scan3A = arith.constant 0 : i32
    %scan3A_3 = arith.constant 0 : i32
    %scan3A_4 = arith.constant 25 : i32
    %scan3A_5 = arith.addi %scan3A_3, %scan3A_4 : i32
    %scan3A_6 = arith.constant 1 : i32
    scf.for %scan3A_14 = %scan3A_3 to %scan3A_5 step %scan3A_6  : i32 {
      %dma_start3A = arith.constant 0 : i32
      %dma_start3A_15 = arith.constant 0 : i32
      %dma_start3A_16 = tpu.memref_slice %arg6[%scan3A_14, %dma_start3A, %dma_start3A_15] : memref<25x128x32xf32, #tpu.memory_space<vmem>> -> memref<1x128x32xf32, #tpu.memory_space<vmem>>
      %dma_start3A_17 = tpu.memref_squeeze %dma_start3A_16 : memref<1x128x32xf32, #tpu.memory_space<vmem>> -> memref<128x32xf32, #tpu.memory_space<vmem>>
      %dma_start3A_18 = arith.constant 0 : i32
      %dma_start3A_19 = tpu.memref_slice %arg5[%scan3A_14, %dma_start3A_18] : memref<25x128xi32, #tpu.memory_space<vmem>> -> memref<1x128xi32, #tpu.memory_space<vmem>>
      %dma_start3A_20 = tpu.memref_squeeze %dma_start3A_19 : memref<1x128xi32, #tpu.memory_space<vmem>> -> memref<128xi32, #tpu.memory_space<vmem>>
      %dma_start3A_21 = arith.constant 0 : i32
      %dma_start3A_22 = arith.constant 0 : i32
      %dma_start3A_23 = tpu.memref_slice %arg3[%dma_start3A_21, %dma_start3A_22] : memref<1000000x32xf32, #tpu.memory_space<hbm>> -> memref<1000000x32xf32, #tpu.memory_space<hbm>>
      tpu.enqueue_indirect_dma source(%dma_start3A_23 : memref<1000000x32xf32, #tpu.memory_space<hbm>>) target(%dma_start3A_17 : memref<128x32xf32, #tpu.memory_space<vmem>>) offsets(%dma_start3A_20 : memref<128xi32, #tpu.memory_space<vmem>>) semaphore(%arg7 : memref<!tpu.dma_semaphore, #tpu.memory_space<semaphore_mem>>)
    }
    %scan3A_7 = arith.constant 25 : i32
    %scan3A_8 = arith.constant 0 : i32
    %scan3A_9 = arith.constant 0 : i32
    %scan3A_10 = arith.constant 25 : i32
    %scan3A_11 = arith.addi %scan3A_9, %scan3A_10 : i32
    %scan3A_12 = arith.constant 1 : i32
    scf.for %scan3A_14 = %scan3A_9 to %scan3A_11 step %scan3A_12  : i32 {
      %dma_wait3A = arith.constant 0 : i32
      %dma_wait3A_15 = arith.constant 0 : i32
      %dma_wait3A_16 = tpu.memref_slice %arg6[%scan3A_14, %dma_wait3A, %dma_wait3A_15] : memref<25x128x32xf32, #tpu.memory_space<vmem>> -> memref<1x128x32xf32, #tpu.memory_space<vmem>>
      %dma_wait3A_17 = tpu.memref_squeeze %dma_wait3A_16 : memref<1x128x32xf32, #tpu.memory_space<vmem>> -> memref<128x32xf32, #tpu.memory_space<vmem>>
      %dma_wait3A_18 = arith.constant 0 : i32
      %dma_wait3A_19 = tpu.memref_slice %arg5[%scan3A_14, %dma_wait3A_18] : memref<25x128xi32, #tpu.memory_space<vmem>> -> memref<1x128xi32, #tpu.memory_space<vmem>>
      %dma_wait3A_20 = tpu.memref_squeeze %dma_wait3A_19 : memref<1x128xi32, #tpu.memory_space<vmem>> -> memref<128xi32, #tpu.memory_space<vmem>>
      %dma_wait3A_21 = arith.constant 0 : i32
      %dma_wait3A_22 = arith.constant 0 : i32
      %dma_wait3A_23 = tpu.memref_slice %arg3[%dma_wait3A_21, %dma_wait3A_22] : memref<1000000x32xf32, #tpu.memory_space<hbm>> -> memref<1000000x32xf32, #tpu.memory_space<hbm>>
      tpu.wait_indirect_dma semaphore(%arg7 : memref<!tpu.dma_semaphore, #tpu.memory_space<semaphore_mem>>) src(%dma_wait3A_23 : memref<1000000x32xf32, #tpu.memory_space<hbm>>) dst(%dma_wait3A_17 : memref<128x32xf32, #tpu.memory_space<vmem>>)
    }
    %scan3A_13 = arith.constant 25 : i32
    "tpu.region"() ({
      %run_scoped3A = tpu.sem_alloc : memref<!tpu.dma_semaphore, #tpu.memory_space<semaphore_mem>>
      %dma_start3A = arith.constant 0 : i32
      %dma_start3A_14 = arith.constant 0 : i32
      %dma_start3A_15 = arith.constant 0 : i32
      %dma_start3A_16 = tpu.memref_slice %arg4[%add3A, %dma_start3A, %dma_start3A_14, %dma_start3A_15] : memref<32x25x128x32xf32, #tpu.memory_space<hbm>> -> memref<1x25x128x32xf32, #tpu.memory_space<hbm>>
      %dma_start3A_17 = tpu.memref_squeeze %dma_start3A_16 : memref<1x25x128x32xf32, #tpu.memory_space<hbm>> -> memref<25x128x32xf32, #tpu.memory_space<hbm>>
      %dma_start3A_18 = arith.constant 0 : i32
      %dma_start3A_19 = arith.constant 0 : i32
      %dma_start3A_20 = arith.constant 0 : i32
      %dma_start3A_21 = tpu.memref_slice %arg4[%add3A, %dma_start3A_18, %dma_start3A_19, %dma_start3A_20] : memref<32x25x128x32xf32, #tpu.memory_space<hbm>> -> memref<1x25x128x32xf32, #tpu.memory_space<hbm>>
      %dma_start3A_22 = tpu.memref_squeeze %dma_start3A_21 : memref<1x25x128x32xf32, #tpu.memory_space<hbm>> -> memref<25x128x32xf32, #tpu.memory_space<hbm>>
      tpu.enqueue_dma source(%arg6 : memref<25x128x32xf32, #tpu.memory_space<vmem>>) target(%dma_start3A_22 : memref<25x128x32xf32, #tpu.memory_space<hbm>>) target_semaphore(%run_scoped3A : memref<!tpu.dma_semaphore, #tpu.memory_space<semaphore_mem>>)
      %dma_wait3A = arith.constant 0 : i32
      %dma_wait3A_23 = arith.constant 0 : i32
      %dma_wait3A_24 = arith.constant 0 : i32
      %dma_wait3A_25 = tpu.memref_slice %arg4[%add3A, %dma_wait3A, %dma_wait3A_23, %dma_wait3A_24] : memref<32x25x128x32xf32, #tpu.memory_space<hbm>> -> memref<1x25x128x32xf32, #tpu.memory_space<hbm>>
      %dma_wait3A_26 = tpu.memref_squeeze %dma_wait3A_25 : memref<1x25x128x32xf32, #tpu.memory_space<hbm>> -> memref<25x128x32xf32, #tpu.memory_space<hbm>>
      %dma_wait3A_27 = arith.constant 0 : i32
      %dma_wait3A_28 = arith.constant 0 : i32
      %dma_wait3A_29 = arith.constant 0 : i32
      %dma_wait3A_30 = tpu.memref_slice %arg4[%add3A, %dma_wait3A_27, %dma_wait3A_28, %dma_wait3A_29] : memref<32x25x128x32xf32, #tpu.memory_space<hbm>> -> memref<1x25x128x32xf32, #tpu.memory_space<hbm>>
      %dma_wait3A_31 = tpu.memref_squeeze %dma_wait3A_30 : memref<1x25x128x32xf32, #tpu.memory_space<hbm>> -> memref<25x128x32xf32, #tpu.memory_space<hbm>>
      tpu.wait_dma2 semaphore(%run_scoped3A : memref<!tpu.dma_semaphore, #tpu.memory_space<semaphore_mem>>) src(%arg6 : memref<25x128x32xf32, #tpu.memory_space<vmem>>) dst(%dma_wait3A_31 : memref<25x128x32xf32, #tpu.memory_space<hbm>>)
      tpu.yield
    }) : () -> ()
    return
  }
}

</mosaic_0001>

<sc_bundles>
// kernel: kernel.3.cloned.1.call-start
scs
__scs_entry_jumppad:
0x0: {  	(pc) =	sbr.rel $0x88, $3  }
0x1: {  	(tag) =	ssettag $0x0;
	lr =	simm.s32 $0x1  }
0x2: {  	[smem:$0x3F9F] =	sst lr;
	_ =	strace $0xD0000000  }
0x3: {  	_ = 	snop  }
0x4: {  	_ = 	snop  }
0x5: {  	_ = 	snop  }
0x6: {  	_ = 	snop  }
0x7: {  	_ = 	snop  }
__scs_overlays_trampoline_lowered:
0x8: {  	[smem:$0x3FAE] =	sst s0  }
0x9: {  	[smem:$0x3FAF] =	sst s1  }
0xa: {  	[smem:$0x3FB0] =	sst s2  }
0xb: {  	[smem:$0x3FB1] =	sst s3  }
0xc: {  	[smem:$0x3FB2] =	sst s4  }
0xd: {  	[smem:$0x3FB3] =	sst s5  }
0xe: {  	[smem:$0x3FB4] =	sst s6  }
0xf: {  	[smem:$0x3FB5] =	sst s7  }
0x10: {  	[smem:$0x3FB6] =	sst s8  }
0x11: {  	[smem:$0x3FB7] =	sst s9;
	s0 =	simm.s32 @!p0 $0x0  }
0x12: {  	s1 =	sld [smem:$0x3F9D];
	s0 =	simm.s32 @p0 $0x1  }
0x13: {  	[smem:$0x3FB8] =	sst s0;
	s0 =	simm.s32 @!p1 $0x0  }
0x14: {  	s2 =	sld [smem:$0x3F9C];
	s0 =	simm.s32 @p1 $0x1  }
0x15: {  	[smem:$0x3FB9] =	sst s0;
	s0 =	simm.s32 @!p2 $0x0  }
0x16: {  	s3 =	sld [smem:$0x3FDB];
	s0 =	simm.s32 @p2 $0x1  }
0x17: {  	s4 =	simm.s32 $0x1BF5;
	[smem:$0x3FBB] =	sst s0  }
0x18: {  	s0 =	sld [smem:$0x3F9E];
	_ =	swait.ge [sflag:s4], $0x0  }
0x19: {  	s7 =	sld [smem:$0x3F9F]  }
0x1a: {  	s8 =	sadd.s32 $0xFFFFE003, lr  }
0x1b: {  	s9 =	sadd.s32 $0xFFFFFEF7, lr;
	s5 =	simm.s32 $0xFFFFFFFF;
	p2 =	slt.u32 s8, $0xFFFFF086  }
0x1c: {  	p1 =	slt.u32 s9, $0xF7A;
	s5 =	simm.s32 @!p2 $0x0  }
0x1d: {  	s5 =	simm.s32 @p1 $0x1;
	p0 =	seq.s32 s7, s2  }
0x1e: {  	s7 =	smul.u32 @!p0 $0xF7A, s2;
	p2 =	seq.s32 @!p0 s5, $0x0  }
0x1f: {  	s9 =	smul.u32 $0xF7A, s1;
	s8 =	simm.s32 @!p0 $0x1BF5;
	p2 =	por !p2, p0  }
0x20: {  	[sflag:s8] =	ssyncset.s32 @!p0 $0xFFFFF086;
	s6 =	sadd.s32 @!p0 s3, s7;
	s7 =	simm.s32 @!p0 $0x108  }
0x21: {  	s3 =	sadd.s32 s3, s9;
	s6 =	sadd.s32 @!p0 $0x88, s6;
	s7 =	simm.s32 @p2 $0x1082  }
0x22: {  	[simem:s7], [sflag:s8] =	dma.local @!p0 [hbm:s6], $0xF7A  }
0x23: {  	s9 =	sor.u32 $0xD0000000, s2;
	s6 =	simm.s32 $0x108;
	_ =	swait.ge @!p0 [sflag:s8], $0x0  }
0x24: {  	s3 =	sadd.s32 $0x88, s3;
	s6 =	simm.s32 @!p1 $0x1082;
	[sflag:s4] =	ssyncset.s32 $0xFFFFF086  }
0x25: {  	[simem:s6], [sflag:s4] =	dma.local [hbm:s3], $0xF7A  }
0x26: {  	[smem:$0x3F9F] =	sst s1;
	(tag) =	ssettag s2;
	_ =	strace s9  }
0x27: {  	s1 =	sld [smem:$0x3FAF]  }
0x28: {  	s2 =	sld [smem:$0x3FB0]  }
0x29: {  	s4 =	sld [smem:$0x3FB2]  }
0x2a: {  	p0 =	seq.s32 s5, $0x0;
	s5 =	sld [smem:$0x3FB3]  }
0x2b: {  	s6 =	sld [smem:$0x3FB4]  }
0x2c: {  	s7 =	sld [smem:$0x3FB5]  }
0x2d: {  	s3 =	simm.s32 $0x108;
	s8 =	sld [smem:$0x3FB6]  }
0x2e: {  	s3 =	simm.s32 @!p0 $0x1082;
	s9 =	sld [smem:$0x3FB7]  }
0x2f: {  	lr =	sadd.s32 s0, s3;
	s0 =	sld [smem:$0x3FAE]  }
0x30: {  	s3 =	sld [smem:$0x3FB1]  }
0x31: {  	[smem:$0x3FBA] =	sst s10  }
0x32: {  	s10 =	sld [smem:$0x3FB8];
	_ =	sdelay $0x3  }
0x33: {  	p0 =	seq.s32 s10, $0x1;
	s10 =	sld [smem:$0x3FBA];
	_ =	sdelay $0x3  }
0x34: {  	[smem:$0x3FBA] =	sst s10  }
0x35: {  	s10 =	sld [smem:$0x3FB9];
	_ =	sdelay $0x3  }
0x36: {  	p1 =	seq.s32 s10, $0x1;
	s10 =	sld [smem:$0x3FBA];
	_ =	sdelay $0x3  }
0x37: {  	[smem:$0x3FBA] =	sst s10  }
0x38: {  	s10 =	sld [smem:$0x3FBB]  }
0x39: {  	_ = 	snop;
	(pc) =	sbr.ind lr, $3  }
0x3a: {  	_ = 	snop  }
0x3b: {  	_ = 	snop  }
0x3c: {  	p2 =	seq.s32 s10, $0x1;
	s10 =	sld [smem:$0x3FBA]  }
0x3d: {  	_ =	shalt  }
0x3e: {  	_ =	shalt  }
0x3f: {  	_ =	shalt  }
0x40: {  	_ =	shalt  }
0x41: {  	_ =	shalt  }
0x42: {  	_ =	shalt  }
0x43: {  	_ =	shalt  }
0x44: {  	_ =	shalt  }
0x45: {  	_ =	shalt  }
0x46: {  	_ =	shalt  }
0x47: {  	_ =	shalt  }
0x48: {  	_ =	shalt  }
0x49: {  	_ =	shalt  }
0x4a: {  	_ =	shalt  }
0x4b: {  	_ =	shalt  }
0x4c: {  	_ =	shalt  }
0x4d: {  	_ =	shalt  }
0x4e: {  	_ =	shalt  }
0x4f: {  	_ =	shalt  }
0x50: {  	_ =	shalt  }
0x51: {  	_ =	shalt  }
0x52: {  	_ =	shalt  }
0x53: {  	_ =	shalt  }
0x54: {  	_ =	shalt  }
0x55: {  	_ =	shalt  }
0x56: {  	_ =	shalt  }
0x57: {  	_ =	shalt  }
0x58: {  	_ =	shalt  }
0x59: {  	_ =	shalt  }
0x5a: {  	_ =	shalt  }
0x5b: {  	_ =	shalt  }
0x5c: {  	_ =	shalt  }
0x5d: {  	_ =	shalt  }
0x5e: {  	_ =	shalt  }
0x5f: {  	_ =	shalt  }
0x60: {  	_ =	shalt  }
0x61: {  	_ =	shalt  }
0x62: {  	_ =	shalt  }
0x63: {  	_ =	shalt  }
0x64: {  	_ =	shalt  }
0x65: {  	_ =	shalt  }
0x66: {  	_ =	shalt  }
0x67: {  	_ =	shalt  }
0x68: {  	_ =	shalt  }
0x69: {  	_ =	shalt  }
0x6a: {  	_ =	shalt  }
0x6b: {  	_ =	shalt  }
0x6c: {  	_ =	shalt  }
0x6d: {  	_ =	shalt  }
0x6e: {  	_ =	shalt  }
0x6f: {  	_ =	shalt  }
0x70: {  	_ =	shalt  }
0x71: {  	_ =	shalt  }
0x72: {  	_ =	shalt  }
0x73: {  	_ =	shalt  }
0x74: {  	_ =	shalt  }
0x75: {  	_ =	shalt  }
0x76: {  	_ =	shalt  }
0x77: {  	_ =	shalt  }
0x78: {  	_ =	shalt  }
0x79: {  	_ =	shalt  }
0x7a: {  	_ =	shalt  }
0x7b: {  	_ =	shalt  }
0x7c: {  	_ =	shalt  }
0x7d: {  	_ =	shalt  }
0x7e: {  	_ =	shalt  }
0x7f: {  	_ =	shalt  }
0x80: {  	_ =	shalt  }
0x81: {  	_ =	shalt  }
0x82: {  	_ =	shalt  }
0x83: {  	_ =	shalt  }
0x84: {  	_ =	shalt  }
0x85: {  	_ =	shalt  }
0x86: {  	_ =	shalt  }
0x87: {  	_ =	shalt  }
.Lfunc_end0:
.L_simem_size_0:
called_computation_lowered:
.L_overlay_start_0:
0x88: {  	s2 =	sld [smem:$0x3FD9]  }
0x89: {  	s3 =	sld [smem:$0x3FFE];
	_ =	sdelay $0x1  }
0x8a: {  	s1 =	srdreg.scid  }
0x8b: {  	s0 =	sand.u32 $0x1, s1  }
0x8c: {  	s17 =	sshll.u32 s0, $0xA;
	s2 =	sadd.s32 s3, s2  }
0x8d: {  	s2 =	sadd.s32 s2, s17  }
0x8e: {  	[smem:$0x3FC6] =	sst s2  }
0x8f: {  	_ = 	snop  }
0x90: {  	s2 =	sld [smem:$0x3FD0];
	(tm) =	ssettm $0x1  }
0x91: {  	s18 =	sld [smem:$0x3FFB];
	_ =	sdelay $0x3  }
0x92: {  	_ =	strace s18  }
0x93: {  	s3 =	sld [smem:$0x3FFC];
	_ =	sdelay $0x3  }
0x94: {  	_ =	strace s3  }
0x95: {  	s3 =	sld [smem:$0x3FFD];
	_ =	sdelay $0x3  }
0x96: {  	_ =	strace s3  }
0x97: {  	_ =	strace $0x8FFFFFFF  }
0x98: {  	s19 =	sld [smem:$0x3FDB];
	_ =	sdelay $0x1  }
0x99: {  	s4 =	simm.s32 $_scs_section_size  }
0x9a: {  	s5 =	simm.s32 $_size__tile_overlayer_lowered;
	s6 =	simm.s32 $_tile_overlayer_lowered  }
0x9b: {  	s22 =	simm.s32 $0x1BFF;
	s21 =	sshll.u32 s6, $0x1;
	s3 =	sadd.s32 s4, s19  }
0x9c: {  	s7 =	simm.s32 $0x0;
	s20 =	sshll.u32 s5, $0x1;
	s5 =	sadd.s32 s21, s3  }
0x9d: {  	[timem:s7], [sflag:s22] =	dma.local [hbm:s5], s20  }
0x9e: {  	_ =	swait.ge [sflag:s22], s20  }
0x9f: {  	s4 =	ssub.s32 $0x0, s20;
	[sflag:s22] =	ssyncset.done $0x0  }
0xa0: {  	[sflag:s22] =	ssyncadd.s32 s4;
	_ =	sdelay $0x1  }
0xa1: {  	s23 =	simm.s32 $0x1B8B  }
0xa2: {  	_ =	swait.ge [sflag:s23], $0x1  }
0xa3: {  	[sflag:s23] =	ssyncset.done $0x0  }
0xa4: {  	s25 =	simm.s32 $0x1B8E;
	s24 =	sld [smem:$0x3FFE];
	[sflag:s23] =	ssyncadd.s32 $0xFFFFFFFF  }
0xa5: {  	s26 =	simm.s32 $execute0_lowered;
	[smem:$0x3FD2] =	sst s25  }
0xa6: {  	s5 =	sshll.u32 s26, $0x1;
	_ =	strace $0x80000046;
	[dreg:$0x1] =	wrdreg $0xFFFFFFFF  }
0xa7: {  	s28 =	simm.s32 $_size_execute0_lowered;
	s3 =	sadd.s32 s3, s5;
	[dreg:$0x0] =	wrdreg $0x0  }
0xa8: {  	s5 =	sshll.u32 s28, $0x1;
	[dreg:$0x2] =	wrdreg s3  }
0xa9: {  	[dreg:$0x3] =	wrdreg s5  }
0xaa: {  	[dreg:$0x4] =	wrdreg $0xC0  }
0xab: {  	_ =	task [dreg:s7], $0x5FFFF  }
0xac: {  	[dreg:$0x1] =	wrdreg $0xFFFFFFFF  }
0xad: {  	[dreg:$0x0] =	wrdreg $0x60  }
0xae: {  	[dreg:$0x2] =	wrdreg s2  }
0xaf: {  	[dreg:$0x3] =	wrdreg s24  }
0xb0: {  	[dreg:$0x4] =	wrdreg $0x9  }
0xb1: {  	_ =	task.clear_ibuf [dreg:s7], $0x5FFFF;
	_ =	strace $0x90000046  }
0xb2: {  	s29 =	simm.s32 $0x9;
	_ =	strace $0x80000048  }
0xb3: {  	_ =	swait.ge [sflag:s29], $0x1  }
0xb4: {  	[sflag:s29] =	ssyncadd.s32 $0xFFFFFFFF  }
0xb5: {  	_ =	strace $0x90000048  }
0xb6: {  	_ =	sfence  }
0xb7: {  	s30 =	sld [smem:$0x0];
	_ =	sdelay $0x2  }
0xb8: {  	s31 =	sshll.u32 s1, $0xD;
	s1 =	sshrl.u32 s1, $0x2  }
0xb9: {  	s3 =	sand.u32 $0x4000, s31;
	s1 =	sadd.s32 s1, s30  }
0xba: {  	s0 =	sor.u32 s3, s0;
	s1 =	sshll.u32 s1, $0x11  }
0xbb: {  	s0 =	sor.u32 s1, s0  }
0xbc: {  	s0 =	sadd.s32 $0x8F2B, s0  }
0xbd: {  	[sflag:s0] =	ssyncadd.remote.s32 $0x1  }
0xbe: {  	_ =	sfence.sel $0xFFFF  }
0xbf: {  	[dreg:$0x0] =	wrdreg $0xFFFFFFFF;
	(pc) =	sbr.abs _section_cstart, $3  }
0xc0: {  	[dreg:$0x1] =	wrdreg $0xFFFFFFFF  }
0xc1: {  	_ =	task.clear_ibuf [dreg:s7], $0x2FFFF;
	_ =	strace $0x9FFFFFFF  }
0xc2: {  	(tm) =	ssettm $0x7FFFFFFF  }
0xc3: {  	_ =	shalt  }
tec
execute0_lowered:
.L_overlay_start_1:
0x0: {  	(tag) =	ssettag $0x1  }
0x1: {  	s0 =	srdreg.scid  }
0x2: {  	s2 =	stileid.u32;
	s3 =	rddreg [dreg:$0x0];
	s1 =	sand.u32 $0x1, s0  }
0x3: {  	s19 =	sshll.u32 s2, $0x1;
	s0 =	rddreg [dreg:$0x1];
	s2 =	simm.s32 $0x0  }
0x4: {  	s21 =	simm.s32 $0x1C80;
	[smem:$0x7FF] =	sst s2  }
0x5: {  	s22 =	simm.s32 $0x100;
	_ =	strace $0x80000047;
	[dreg:$0x5] =	wrdreg s21  }
0x6: {  	s23 =	simm.s32 $0x2C80;
	[dreg:$0x6] =	wrdreg s22  }
0x7: {  	s24 =	simm.s32 $0x180;
	[dreg:$0x7] =	wrdreg s23  }
0x8: {  	s25 =	simm.s32 $0x3C80;
	[dreg:$0x8] =	wrdreg s24  }
0x9: {  	s26 =	simm.s32 $0x200;
	[dreg:$0x9] =	wrdreg s25  }
0xa: {  	s6 =	simm.s32 $0x5C80;
	[dreg:$0xa] =	wrdreg s26  }
0xb: {  	s7 =	simm.s32 $0x300;
	[dreg:$0xd] =	wrdreg s6  }
0xc: {  	s8 =	simm.s32 $0x6C80;
	[dreg:$0xe] =	wrdreg s7  }
0xd: {  	s9 =	simm.s32 $0x380;
	[dreg:$0xf] =	wrdreg s8  }
0xe: {  	s10 =	simm.s32 $0x7C80;
	[dreg:$0x10] =	wrdreg s9  }
0xf: {  	s11 =	simm.s32 $0x400;
	[dreg:$0x11] =	wrdreg s10  }
0x10: {  	s12 =	simm.s32 $0x8C80;
	[dreg:$0x12] =	wrdreg s11  }
0x11: {  	s13 =	simm.s32 $0x480;
	[dreg:$0x13] =	wrdreg s12  }
0x12: {  	s14 =	simm.s32 $0x9C80;
	[dreg:$0x14] =	wrdreg s13  }
0x13: {  	s15 =	simm.s32 $0x500;
	[dreg:$0x15] =	wrdreg s14  }
0x14: {  	s16 =	simm.s32 $0xAC80;
	[dreg:$0x16] =	wrdreg s15  }
0x15: {  	s17 =	simm.s32 $0x580;
	s4 =	sor.u32 s1, s19;
	[dreg:$0x17] =	wrdreg s16  }
0x16: {  	s18 =	simm.s32 $0xBC80;
	s5 =	smul.u32 $0x3200, s4;
	[dreg:$0x18] =	wrdreg s17  }
0x17: {  	s19 =	simm.s32 $0x600;
	s4 =	smul.u32 $0x190, s4;
	[dreg:$0x19] =	wrdreg s18  }
0x18: {  	[dreg:$0x1a] =	wrdreg s19;
	s22 =	simm.s32 $0x680  }
0x19: {  	[dreg:$0x1c] =	wrdreg s22;
	s3 =	sadd.s32 s3, s4  }
0x1a: {  	s5 =	sadd.s32 s5, s0;
	s4 =	simm.s32 $0x4C80;
	[dreg:$0x3] =	wrdreg s3  }
0x1b: {  	s20 =	sadd.s32 $0x200, s5;
	[dreg:$0xb] =	wrdreg s4  }
0x1c: {  	s5 =	simm.s32 $0x280;
	[dreg:$0x4] =	wrdreg s20  }
0x1d: {  	[dreg:$0xc] =	wrdreg s5  }
0x1e: {  	s20 =	simm.s32 $0xCC80;
	s21 =	rddreg [dreg:$0x3]  }
0x1f: {  	s3 =	simm.s32 $0x2;
	[dreg:$0x1b] =	wrdreg s20  }
0x20: {  	[tilespmem:s2], [sflag:$0x2] =	stream.linear.gather [hbm4b:s21+s2], $0xC80, $0x38;
	[tilespmem:$0x19C80] =	vst v63  }
0x21: {  	_ =	swait.ge [sflag:s3], $0xC80  }
0x22: {  	s7 =	rddreg [dreg:$0x1b]  }
0x23: {  	s8 =	rddreg [dreg:$0x19]  }
0x24: {  	s9 =	rddreg [dreg:$0x17]  }
0x25: {  	s10 =	rddreg [dreg:$0x15]  }
0x26: {  	s11 =	rddreg [dreg:$0x13]  }
0x27: {  	s12 =	rddreg [dreg:$0x11]  }
0x28: {  	s13 =	rddreg [dreg:$0xf]  }
0x29: {  	s14 =	rddreg [dreg:$0xd]  }
0x2a: {  	s6 =	simm.s32 $0x80;
	s15 =	rddreg [dreg:$0xb]  }
0x2b: {  	s4 =	simm.s32 $0xC80;
	s23 =	rddreg [dreg:$0x6];
	[sflag:s3] =	ssyncset.done $0x0  }
0x2c: {  	s5 =	sadd.s32 $0xF42600, s0;
	s16 =	rddreg [dreg:$0x5];
	[sflag:s3] =	ssyncadd.s32 $0xFFFFF380  }
0x2d: {  	[tilespmem:s4], [sflag:$0x1] =	stream.indirect.gather [hbm4b:s5+s6], $0x20, s2, s6, $0xb8;
	[tilespmem:$0x19C80] =	vst v63  }
0x2e: {  	s17 =	rddreg [dreg:$0x7]  }
0x2f: {  	[tilespmem:s16], [sflag:$0x1] =	stream.indirect.gather [hbm4b:s5+s6], $0x20, s6, s6, $0xb8;
	[tilespmem:$0x19C80] =	vst v63  }
0x30: {  	s18 =	rddreg [dreg:$0x9]  }
0x31: {  	[tilespmem:s17], [sflag:$0x1] =	stream.indirect.gather [hbm4b:s5+s6], $0x20, s23, s6, $0xb8;
	[tilespmem:$0x19C80] =	vst v63  }
0x32: {  	s24 =	rddreg [dreg:$0x8]  }
0x33: {  	[tilespmem:s18], [sflag:$0x1] =	stream.indirect.gather [hbm4b:s5+s6], $0x20, s24, s6, $0xb8;
	[tilespmem:$0x19C80] =	vst v63  }
0x34: {  	s25 =	rddreg [dreg:$0xa]  }
0x35: {  	[tilespmem:s15], [sflag:$0x1] =	stream.indirect.gather [hbm4b:s5+s6], $0x20, s25, s6, $0xb8;
	[tilespmem:$0x19C80] =	vst v63  }
0x36: {  	s26 =	rddreg [dreg:$0xc]  }
0x37: {  	[tilespmem:s14], [sflag:$0x1] =	stream.indirect.gather [hbm4b:s5+s6], $0x20, s26, s6, $0xb8;
	[tilespmem:$0x19C80] =	vst v63  }
0x38: {  	s15 =	rddreg [dreg:$0xe]  }
0x39: {  	[tilespmem:s13], [sflag:$0x1] =	stream.indirect.gather [hbm4b:s5+s6], $0x20, s15, s6, $0xb8;
	[tilespmem:$0x19C80] =	vst v63  }
0x3a: {  	s17 =	rddreg [dreg:$0x10]  }
0x3b: {  	[tilespmem:s12], [sflag:$0x1] =	stream.indirect.gather [hbm4b:s5+s6], $0x20, s17, s6, $0xb8;
	[tilespmem:$0x19C80] =	vst v63  }
0x3c: {  	s18 =	rddreg [dreg:$0x12]  }
0x3d: {  	[tilespmem:s11], [sflag:$0x1] =	stream.indirect.gather [hbm4b:s5+s6], $0x20, s18, s6, $0xb8;
	[tilespmem:$0x19C80] =	vst v63  }
0x3e: {  	s19 =	rddreg [dreg:$0x14]  }
0x3f: {  	[tilespmem:s10], [sflag:$0x1] =	stream.indirect.gather [hbm4b:s5+s6], $0x20, s19, s6, $0xb8;
	[tilespmem:$0x19C80] =	vst v63  }
0x40: {  	s20 =	rddreg [dreg:$0x16]  }
0x41: {  	[tilespmem:s9], [sflag:$0x1] =	stream.indirect.gather [hbm4b:s5+s6], $0x20, s20, s6, $0xb8;
	[tilespmem:$0x19C80] =	vst v63  }
0x42: {  	s21 =	rddreg [dreg:$0x18]  }
0x43: {  	[tilespmem:s8], [sflag:$0x1] =	stream.indirect.gather [hbm4b:s5+s6], $0x20, s21, s6, $0xb8;
	[tilespmem:$0x19C80] =	vst v63  }
0x44: {  	s22 =	rddreg [dreg:$0x1a]  }
0x45: {  	[tilespmem:s7], [sflag:$0x1] =	stream.indirect.gather [hbm4b:s5+s6], $0x20, s22, s6, $0xb8;
	[tilespmem:$0x19C80] =	vst v63  }
0x46: {  	s23 =	rddreg [dreg:$0x1c];
	s24 =	simm.s32 $0xDC80  }
0x47: {  	[tilespmem:s24], [sflag:$0x1] =	stream.indirect.gather [hbm4b:s5+s6], $0x20, s23, s6, $0xb8;
	[tilespmem:$0x19C80] =	vst v63  }
0x48: {  	s25 =	simm.s32 $0x700;
	s26 =	simm.s32 $0xEC80  }
0x49: {  	[tilespmem:s26], [sflag:$0x1] =	stream.indirect.gather [hbm4b:s5+s6], $0x20, s25, s6, $0xb8;
	[tilespmem:$0x19C80] =	vst v63  }
0x4a: {  	s9 =	simm.s32 $0xFC80;
	s8 =	simm.s32 $0x780  }
0x4b: {  	[tilespmem:s9], [sflag:$0x1] =	stream.indirect.gather [hbm4b:s5+s6], $0x20, s8, s6, $0xb8;
	[tilespmem:$0x19C80] =	vst v63  }
0x4c: {  	s11 =	simm.s32 $0x10C80;
	s10 =	simm.s32 $0x800  }
0x4d: {  	[tilespmem:s11], [sflag:$0x1] =	stream.indirect.gather [hbm4b:s5+s6], $0x20, s10, s6, $0xb8;
	[tilespmem:$0x19C80] =	vst v63  }
0x4e: {  	s13 =	simm.s32 $0x11C80;
	s12 =	simm.s32 $0x880  }
0x4f: {  	[tilespmem:s13], [sflag:$0x1] =	stream.indirect.gather [hbm4b:s5+s6], $0x20, s12, s6, $0xb8;
	[tilespmem:$0x19C80] =	vst v63  }
0x50: {  	s14 =	simm.s32 $0x900;
	s15 =	simm.s32 $0x12C80  }
0x51: {  	[tilespmem:s15], [sflag:$0x1] =	stream.indirect.gather [hbm4b:s5+s6], $0x20, s14, s6, $0xb8;
	[tilespmem:$0x19C80] =	vst v63  }
0x52: {  	s16 =	simm.s32 $0x980;
	s17 =	simm.s32 $0x13C80  }
0x53: {  	[tilespmem:s17], [sflag:$0x1] =	stream.indirect.gather [hbm4b:s5+s6], $0x20, s16, s6, $0xb8;
	[tilespmem:$0x19C80] =	vst v63  }
0x54: {  	s20 =	simm.s32 $0xA00;
	s21 =	simm.s32 $0x14C80  }
0x55: {  	[tilespmem:s21], [sflag:$0x1] =	stream.indirect.gather [hbm4b:s5+s6], $0x20, s20, s6, $0xb8;
	[tilespmem:$0x19C80] =	vst v63  }
0x56: {  	s22 =	simm.s32 $0xA80;
	s23 =	simm.s32 $0x15C80  }
0x57: {  	[tilespmem:s23], [sflag:$0x1] =	stream.indirect.gather [hbm4b:s5+s6], $0x20, s22, s6, $0xb8;
	[tilespmem:$0x19C80] =	vst v63  }
0x58: {  	s24 =	simm.s32 $0xB00;
	s26 =	simm.s32 $0x16C80  }
0x59: {  	[tilespmem:s26], [sflag:$0x1] =	stream.indirect.gather [hbm4b:s5+s6], $0x20, s24, s6, $0xb8;
	[tilespmem:$0x19C80] =	vst v63  }
0x5a: {  	s28 =	simm.s32 $0xB80;
	s29 =	simm.s32 $0x17C80  }
0x5b: {  	[tilespmem:s29], [sflag:$0x1] =	stream.indirect.gather [hbm4b:s5+s6], $0x20, s28, s6, $0xb8;
	[tilespmem:$0x19C80] =	vst v63  }
0x5c: {  	s30 =	simm.s32 $0xC00;
	s31 =	simm.s32 $0x18C80;
	s25 =	simm.s32 $0x1  }
0x5d: {  	[tilespmem:s31], [sflag:$0x1] =	stream.indirect.gather [hbm4b:s5+s6], $0x20, s30, s6, $0xb8;
	[tilespmem:$0x19C80] =	vst v63  }
0x5e: {  	_ =	swait.ge [sflag:s25], $0x1000  }
0x5f: {  	[sflag:s25] =	ssyncset.done $0x0  }
0x60: {  	[sflag:s25] =	ssyncadd.s32 $0xFFFFF000  }
0x61: {  	_ =	swait.ge [sflag:s25], $0x1000  }
0x62: {  	[sflag:s25] =	ssyncset.done $0x0  }
0x63: {  	[sflag:s25] =	ssyncadd.s32 $0xFFFFF000  }
0x64: {  	_ =	swait.ge [sflag:s25], $0x1000  }
0x65: {  	[sflag:s25] =	ssyncset.done $0x0  }
0x66: {  	[sflag:s25] =	ssyncadd.s32 $0xFFFFF000  }
0x67: {  	_ =	swait.ge [sflag:s25], $0x1000  }
0x68: {  	[sflag:s25] =	ssyncset.done $0x0  }
0x69: {  	[sflag:s25] =	ssyncadd.s32 $0xFFFFF000  }
0x6a: {  	_ =	swait.ge [sflag:s25], $0x1000  }
0x6b: {  	[sflag:s25] =	ssyncset.done $0x0  }
0x6c: {  	[sflag:s25] =	ssyncadd.s32 $0xFFFFF000  }
0x6d: {  	_ =	swait.ge [sflag:s25], $0x1000  }
0x6e: {  	[sflag:s25] =	ssyncset.done $0x0  }
0x6f: {  	[sflag:s25] =	ssyncadd.s32 $0xFFFFF000  }
0x70: {  	_ =	swait.ge [sflag:s25], $0x1000  }
0x71: {  	[sflag:s25] =	ssyncset.done $0x0  }
0x72: {  	[sflag:s25] =	ssyncadd.s32 $0xFFFFF000  }
0x73: {  	_ =	swait.ge [sflag:s25], $0x1000  }
0x74: {  	[sflag:s25] =	ssyncset.done $0x0  }
0x75: {  	[sflag:s25] =	ssyncadd.s32 $0xFFFFF000  }
0x76: {  	_ =	swait.ge [sflag:s25], $0x1000  }
0x77: {  	[sflag:s25] =	ssyncset.done $0x0  }
0x78: {  	[sflag:s25] =	ssyncadd.s32 $0xFFFFF000  }
0x79: {  	_ =	swait.ge [sflag:s25], $0x1000  }
0x7a: {  	[sflag:s25] =	ssyncset.done $0x0  }
0x7b: {  	[sflag:s25] =	ssyncadd.s32 $0xFFFFF000  }
0x7c: {  	_ =	swait.ge [sflag:s25], $0x1000  }
0x7d: {  	[sflag:s25] =	ssyncset.done $0x0  }
0x7e: {  	[sflag:s25] =	ssyncadd.s32 $0xFFFFF000  }
0x7f: {  	_ =	swait.ge [sflag:s25], $0x1000  }
0x80: {  	[sflag:s25] =	ssyncset.done $0x0  }
0x81: {  	[sflag:s25] =	ssyncadd.s32 $0xFFFFF000  }
0x82: {  	_ =	swait.ge [sflag:s25], $0x1000  }
0x83: {  	[sflag:s25] =	ssyncset.done $0x0  }
0x84: {  	[sflag:s25] =	ssyncadd.s32 $0xFFFFF000  }
0x85: {  	_ =	swait.ge [sflag:s25], $0x1000  }
0x86: {  	[sflag:s25] =	ssyncset.done $0x0  }
0x87: {  	[sflag:s25] =	ssyncadd.s32 $0xFFFFF000  }
0x88: {  	_ =	swait.ge [sflag:s25], $0x1000  }
0x89: {  	[sflag:s25] =	ssyncset.done $0x0  }
0x8a: {  	[sflag:s25] =	ssyncadd.s32 $0xFFFFF000  }
0x8b: {  	_ =	swait.ge [sflag:s25], $0x1000  }
0x8c: {  	[sflag:s25] =	ssyncset.done $0x0  }
0x8d: {  	[sflag:s25] =	ssyncadd.s32 $0xFFFFF000  }
0x8e: {  	_ =	swait.ge [sflag:s25], $0x1000  }
0x8f: {  	[sflag:s25] =	ssyncset.done $0x0  }
0x90: {  	[sflag:s25] =	ssyncadd.s32 $0xFFFFF000  }
0x91: {  	_ =	swait.ge [sflag:s25], $0x1000  }
0x92: {  	[sflag:s25] =	ssyncset.done $0x0  }
0x93: {  	[sflag:s25] =	ssyncadd.s32 $0xFFFFF000  }
0x94: {  	_ =	swait.ge [sflag:s25], $0x1000  }
0x95: {  	[sflag:s25] =	ssyncset.done $0x0  }
0x96: {  	[sflag:s25] =	ssyncadd.s32 $0xFFFFF000  }
0x97: {  	_ =	swait.ge [sflag:s25], $0x1000  }
0x98: {  	s18 =	ssub.s32 $0x2, s1;
	[sflag:s25] =	ssyncset.done $0x0  }
0x99: {  	s1 =	sshrl.u32 s18, $0x1;
	[sflag:s25] =	ssyncadd.s32 $0xFFFFF000  }
0x9a: {  	s0 =	ssub.s32 s18, s1;
	_ =	swait.ge [sflag:s25], $0x1000  }
0x9b: {  	s0 =	smax.u32 s0, $0x1;
	[sflag:s25] =	ssyncset.done $0x0  }
0x9c: {  	p0 =	sne.s32 s0, $0x1;
	[sflag:s25] =	ssyncadd.s32 $0xFFFFF000  }
.Ltmp0:
0x9d: {  	_ =	swait.ge [sflag:s25], $0x1000;
	(pc) =	sbr.rel @!p0 .LBB2_2-.Ltmp0, $4  }
0x9e: {  	[sflag:s25] =	ssyncset.done $0x0  }
0x9f: {  	[sflag:s25] =	ssyncadd.s32 $0xFFFFF000  }
0xa0: {  	_ =	swait.ge [sflag:s25], $0x1000  }
0xa1: {  	s19 =	simm.s32 $0x13C80;
	s1 =	sadd.s32 $0xFFFFFFFF, s0;
	[sflag:s25] =	ssyncset.done $0x0  }
.LBB2_1:
0xa2: {  	[sflag:s25] =	ssyncadd.s32 $0xFFFFF000  }
0xa3: {  	_ =	swait.ge [sflag:s25], $0x1000  }
0xa4: {  	[sflag:s25] =	ssyncset.done $0x0  }
0xa5: {  	[sflag:s25] =	ssyncadd.s32 $0xFFFFF000  }
0xa6: {  	_ =	swait.ge [sflag:s25], $0x1000  }
0xa7: {  	[sflag:s25] =	ssyncset.done $0x0  }
0xa8: {  	s0 =	rddreg [dreg:$0x4];
	[sflag:s25] =	ssyncadd.s32 $0xFFFFF000  }
0xa9: {  	[hbm4b:s0+s2] =	stream.linear.scatter [tilespmem:s4], [sflag:$0x2], $0x19000, $0x38;
	[tilespmem:$0x19C80] =	vst v63  }
0xaa: {  	_ =	swait.ge [sflag:s3], $0x19000  }
0xab: {  	[sflag:s3] =	ssyncset.done $0x0  }
0xac: {  	s16 =	rddreg [dreg:$0x3];
	[sflag:s3] =	ssyncadd.s32 $0xFFFE7000  }
0xad: {  	[tilespmem:s2], [sflag:$0x2] =	stream.linear.gather [hbm4b:s16+s2], $0xC80, $0x38;
	[tilespmem:$0x19C80] =	vst v63  }
0xae: {  	_ =	swait.ge [sflag:s3], $0xC80  }
0xaf: {  	s0 =	rddreg [dreg:$0x1b]  }
0xb0: {  	s7 =	rddreg [dreg:$0x19]  }
0xb1: {  	s8 =	rddreg [dreg:$0x17]  }
0xb2: {  	s9 =	rddreg [dreg:$0x15]  }
0xb3: {  	s10 =	rddreg [dreg:$0x13]  }
0xb4: {  	s11 =	rddreg [dreg:$0x11]  }
0xb5: {  	s12 =	rddreg [dreg:$0xf]  }
0xb6: {  	s13 =	rddreg [dreg:$0xd]  }
0xb7: {  	s14 =	rddreg [dreg:$0xb]  }
0xb8: {  	s15 =	rddreg [dreg:$0x6];
	[sflag:s3] =	ssyncset.done $0x0  }
0xb9: {  	s16 =	rddreg [dreg:$0x5];
	[sflag:s3] =	ssyncadd.s32 $0xFFFFF380  }
0xba: {  	[tilespmem:s4], [sflag:$0x1] =	stream.indirect.gather [hbm4b:s5+s6], $0x20, s2, s6, $0xb8;
	[tilespmem:$0x19C80] =	vst v63  }
0xbb: {  	s17 =	rddreg [dreg:$0x7]  }
0xbc: {  	[tilespmem:s16], [sflag:$0x1] =	stream.indirect.gather [hbm4b:s5+s6], $0x20, s6, s6, $0xb8;
	[tilespmem:$0x19C80] =	vst v63  }
0xbd: {  	s18 =	rddreg [dreg:$0x9]  }
0xbe: {  	[tilespmem:s17], [sflag:$0x1] =	stream.indirect.gather [hbm4b:s5+s6], $0x20, s15, s6, $0xb8;
	[tilespmem:$0x19C80] =	vst v63  }
0xbf: {  	s16 =	rddreg [dreg:$0x8]  }
0xc0: {  	[tilespmem:s18], [sflag:$0x1] =	stream.indirect.gather [hbm4b:s5+s6], $0x20, s16, s6, $0xb8;
	[tilespmem:$0x19C80] =	vst v63  }
0xc1: {  	s17 =	rddreg [dreg:$0xa]  }
0xc2: {  	[tilespmem:s14], [sflag:$0x1] =	stream.indirect.gather [hbm4b:s5+s6], $0x20, s17, s6, $0xb8;
	[tilespmem:$0x19C80] =	vst v63  }
0xc3: {  	s18 =	rddreg [dreg:$0xc]  }
0xc4: {  	[tilespmem:s13], [sflag:$0x1] =	stream.indirect.gather [hbm4b:s5+s6], $0x20, s18, s6, $0xb8;
	[tilespmem:$0x19C80] =	vst v63  }
0xc5: {  	s15 =	rddreg [dreg:$0xe]  }
0xc6: {  	[tilespmem:s12], [sflag:$0x1] =	stream.indirect.gather [hbm4b:s5+s6], $0x20, s15, s6, $0xb8;
	[tilespmem:$0x19C80] =	vst v63  }
0xc7: {  	s17 =	rddreg [dreg:$0x10]  }
0xc8: {  	[tilespmem:s11], [sflag:$0x1] =	stream.indirect.gather [hbm4b:s5+s6], $0x20, s17, s6, $0xb8;
	[tilespmem:$0x19C80] =	vst v63  }
0xc9: {  	s18 =	rddreg [dreg:$0x12]  }
0xca: {  	[tilespmem:s10], [sflag:$0x1] =	stream.indirect.gather [hbm4b:s5+s6], $0x20, s18, s6, $0xb8;
	[tilespmem:$0x19C80] =	vst v63  }
0xcb: {  	s13 =	rddreg [dreg:$0x14]  }
0xcc: {  	[tilespmem:s9], [sflag:$0x1] =	stream.indirect.gather [hbm4b:s5+s6], $0x20, s13, s6, $0xb8;
	[tilespmem:$0x19C80] =	vst v63  }
0xcd: {  	s14 =	rddreg [dreg:$0x16]  }
0xce: {  	[tilespmem:s8], [sflag:$0x1] =	stream.indirect.gather [hbm4b:s5+s6], $0x20, s14, s6, $0xb8;
	[tilespmem:$0x19C80] =	vst v63  }
0xcf: {  	s15 =	rddreg [dreg:$0x18]  }
0xd0: {  	[tilespmem:s7], [sflag:$0x1] =	stream.indirect.gather [hbm4b:s5+s6], $0x20, s15, s6, $0xb8;
	[tilespmem:$0x19C80] =	vst v63  }
0xd1: {  	s16 =	rddreg [dreg:$0x1a]  }
0xd2: {  	[tilespmem:s0], [sflag:$0x1] =	stream.indirect.gather [hbm4b:s5+s6], $0x20, s16, s6, $0xb8;
	[tilespmem:$0x19C80] =	vst v63  }
0xd3: {  	s17 =	rddreg [dreg:$0x1c];
	s18 =	simm.s32 $0xDC80  }
0xd4: {  	[tilespmem:s18], [sflag:$0x1] =	stream.indirect.gather [hbm4b:s5+s6], $0x20, s17, s6, $0xb8;
	[tilespmem:$0x19C80] =	vst v63  }
0xd5: {  	s9 =	simm.s32 $0xEC80;
	s8 =	simm.s32 $0x700  }
0xd6: {  	[tilespmem:s9], [sflag:$0x1] =	stream.indirect.gather [hbm4b:s5+s6], $0x20, s8, s6, $0xb8;
	[tilespmem:$0x19C80] =	vst v63  }
0xd7: {  	s11 =	simm.s32 $0xFC80;
	s10 =	simm.s32 $0x780  }
0xd8: {  	[tilespmem:s11], [sflag:$0x1] =	stream.indirect.gather [hbm4b:s5+s6], $0x20, s10, s6, $0xb8;
	[tilespmem:$0x19C80] =	vst v63  }
0xd9: {  	s12 =	simm.s32 $0x800;
	s13 =	simm.s32 $0x10C80  }
0xda: {  	[tilespmem:s13], [sflag:$0x1] =	stream.indirect.gather [hbm4b:s5+s6], $0x20, s12, s6, $0xb8;
	[tilespmem:$0x19C80] =	vst v63  }
0xdb: {  	s14 =	simm.s32 $0x880;
	s15 =	simm.s32 $0x11C80  }
0xdc: {  	[tilespmem:s15], [sflag:$0x1] =	stream.indirect.gather [hbm4b:s5+s6], $0x20, s14, s6, $0xb8;
	[tilespmem:$0x19C80] =	vst v63  }
0xdd: {  	s16 =	simm.s32 $0x900;
	s17 =	simm.s32 $0x12C80  }
0xde: {  	[tilespmem:s17], [sflag:$0x1] =	stream.indirect.gather [hbm4b:s5+s6], $0x20, s16, s6, $0xb8;
	[tilespmem:$0x19C80] =	vst v63  }
0xdf: {  	s18 =	simm.s32 $0x980  }
0xe0: {  	[tilespmem:s19], [sflag:$0x1] =	stream.indirect.gather [hbm4b:s5+s6], $0x20, s18, s6, $0xb8;
	[tilespmem:$0x19C80] =	vst v63  }
0xe1: {  	_ = 	snop  }
0xe2: {  	[tilespmem:s21], [sflag:$0x1] =	stream.indirect.gather [hbm4b:s5+s6], $0x20, s20, s6, $0xb8;
	[tilespmem:$0x19C80] =	vst v63  }
0xe3: {  	_ = 	snop  }
0xe4: {  	[tilespmem:s23], [sflag:$0x1] =	stream.indirect.gather [hbm4b:s5+s6], $0x20, s22, s6, $0xb8;
	[tilespmem:$0x19C80] =	vst v63  }
0xe5: {  	_ = 	snop  }
0xe6: {  	[tilespmem:s26], [sflag:$0x1] =	stream.indirect.gather [hbm4b:s5+s6], $0x20, s24, s6, $0xb8;
	[tilespmem:$0x19C80] =	vst v63  }
0xe7: {  	_ = 	snop  }
0xe8: {  	[tilespmem:s29], [sflag:$0x1] =	stream.indirect.gather [hbm4b:s5+s6], $0x20, s28, s6, $0xb8;
	[tilespmem:$0x19C80] =	vst v63  }
0xe9: {  	_ = 	snop  }
0xea: {  	[tilespmem:s31], [sflag:$0x1] =	stream.indirect.gather [hbm4b:s5+s6], $0x20, s30, s6, $0xb8;
	[tilespmem:$0x19C80] =	vst v63  }
0xeb: {  	_ =	swait.ge [sflag:s25], $0x1000  }
0xec: {  	[sflag:s25] =	ssyncset.done $0x0  }
0xed: {  	[sflag:s25] =	ssyncadd.s32 $0xFFFFF000  }
0xee: {  	_ =	swait.ge [sflag:s25], $0x1000  }
0xef: {  	[sflag:s25] =	ssyncset.done $0x0  }
0xf0: {  	[sflag:s25] =	ssyncadd.s32 $0xFFFFF000  }
0xf1: {  	_ =	swait.ge [sflag:s25], $0x1000  }
0xf2: {  	[sflag:s25] =	ssyncset.done $0x0  }
0xf3: {  	[sflag:s25] =	ssyncadd.s32 $0xFFFFF000  }
0xf4: {  	_ =	swait.ge [sflag:s25], $0x1000  }
0xf5: {  	[sflag:s25] =	ssyncset.done $0x0  }
0xf6: {  	[sflag:s25] =	ssyncadd.s32 $0xFFFFF000  }
0xf7: {  	_ =	swait.ge [sflag:s25], $0x1000  }
0xf8: {  	[sflag:s25] =	ssyncset.done $0x0  }
0xf9: {  	[sflag:s25] =	ssyncadd.s32 $0xFFFFF000  }
0xfa: {  	_ =	swait.ge [sflag:s25], $0x1000  }
0xfb: {  	[sflag:s25] =	ssyncset.done $0x0  }
0xfc: {  	[sflag:s25] =	ssyncadd.s32 $0xFFFFF000  }
0xfd: {  	_ =	swait.ge [sflag:s25], $0x1000  }
0xfe: {  	[sflag:s25] =	ssyncset.done $0x0  }
0xff: {  	[sflag:s25] =	ssyncadd.s32 $0xFFFFF000  }
0x100: {  	_ =	swait.ge [sflag:s25], $0x1000  }
0x101: {  	[sflag:s25] =	ssyncset.done $0x0  }
0x102: {  	[sflag:s25] =	ssyncadd.s32 $0xFFFFF000  }
0x103: {  	_ =	swait.ge [sflag:s25], $0x1000  }
0x104: {  	[sflag:s25] =	ssyncset.done $0x0  }
0x105: {  	[sflag:s25] =	ssyncadd.s32 $0xFFFFF000  }
0x106: {  	_ =	swait.ge [sflag:s25], $0x1000  }
0x107: {  	[sflag:s25] =	ssyncset.done $0x0  }
0x108: {  	[sflag:s25] =	ssyncadd.s32 $0xFFFFF000  }
0x109: {  	_ =	swait.ge [sflag:s25], $0x1000  }
0x10a: {  	[sflag:s25] =	ssyncset.done $0x0  }
0x10b: {  	[sflag:s25] =	ssyncadd.s32 $0xFFFFF000  }
0x10c: {  	_ =	swait.ge [sflag:s25], $0x1000  }
0x10d: {  	[sflag:s25] =	ssyncset.done $0x0  }
0x10e: {  	[sflag:s25] =	ssyncadd.s32 $0xFFFFF000  }
0x10f: {  	_ =	swait.ge [sflag:s25], $0x1000  }
0x110: {  	[sflag:s25] =	ssyncset.done $0x0  }
0x111: {  	[sflag:s25] =	ssyncadd.s32 $0xFFFFF000  }
0x112: {  	_ =	swait.ge [sflag:s25], $0x1000  }
0x113: {  	[sflag:s25] =	ssyncset.done $0x0  }
0x114: {  	[sflag:s25] =	ssyncadd.s32 $0xFFFFF000  }
0x115: {  	_ =	swait.ge [sflag:s25], $0x1000  }
0x116: {  	[sflag:s25] =	ssyncset.done $0x0  }
0x117: {  	[sflag:s25] =	ssyncadd.s32 $0xFFFFF000  }
0x118: {  	_ =	swait.ge [sflag:s25], $0x1000  }
0x119: {  	[sflag:s25] =	ssyncset.done $0x0  }
0x11a: {  	[sflag:s25] =	ssyncadd.s32 $0xFFFFF000  }
0x11b: {  	_ =	swait.ge [sflag:s25], $0x1000  }
0x11c: {  	[sflag:s25] =	ssyncset.done $0x0  }
0x11d: {  	[sflag:s25] =	ssyncadd.s32 $0xFFFFF000  }
0x11e: {  	_ =	swait.ge [sflag:s25], $0x1000  }
0x11f: {  	[sflag:s25] =	ssyncset.done $0x0  }
0x120: {  	[sflag:s25] =	ssyncadd.s32 $0xFFFFF000  }
0x121: {  	_ =	swait.ge [sflag:s25], $0x1000  }
0x122: {  	[sflag:s25] =	ssyncset.done $0x0  }
0x123: {  	[sflag:s25] =	ssyncadd.s32 $0xFFFFF000  }
0x124: {  	_ =	swait.ge [sflag:s25], $0x1000  }
0x125: {  	[sflag:s25] =	ssyncset.done $0x0  }
0x126: {  	[sflag:s25] =	ssyncadd.s32 $0xFFFFF000  }
0x127: {  	_ =	swait.ge [sflag:s25], $0x1000  }
0x128: {  	[sflag:s25] =	ssyncset.done $0x0  }
0x129: {  	p0 =	sne.s32 s1, $0x1;
	[sflag:s25] =	ssyncadd.s32 $0xFFFFF000  }
.Ltmp1:
0x12a: {  	_ =	swait.ge [sflag:s25], $0x1000;
	(pc) =	sbr.rel @p0 .LBB2_1-.Ltmp1, $4  }
0x12b: {  	[sflag:s25] =	ssyncset.done $0x0  }
0x12c: {  	[sflag:s25] =	ssyncadd.s32 $0xFFFFF000  }
0x12d: {  	_ =	swait.ge [sflag:s25], $0x1000  }
0x12e: {  	s1 =	sadd.s32 $0xFFFFFFFF, s1;
	[sflag:s25] =	ssyncset.done $0x0  }
.LBB2_2:
0x12f: {  	[sflag:s25] =	ssyncadd.s32 $0xFFFFF000  }
0x130: {  	_ =	swait.ge [sflag:s25], $0x1000  }
0x131: {  	[sflag:s25] =	ssyncset.done $0x0  }
0x132: {  	[sflag:s25] =	ssyncadd.s32 $0xFFFFF000  }
0x133: {  	_ =	swait.ge [sflag:s25], $0x1000  }
0x134: {  	[sflag:s25] =	ssyncset.done $0x0  }
0x135: {  	s0 =	rddreg [dreg:$0x4];
	[sflag:s25] =	ssyncadd.s32 $0xFFFFF000  }
0x136: {  	[hbm4b:s0+s2] =	stream.linear.scatter [tilespmem:s4], [sflag:$0x2], $0x19000, $0x38;
	[tilespmem:$0x19C80] =	vst v63  }
0x137: {  	_ =	swait.ge [sflag:s3], $0x19000  }
0x138: {  	[sflag:s3] =	ssyncset.done $0x0  }
0x139: {  	[sflag:s3] =	ssyncadd.s32 $0xFFFE7000  }
0x13a: {  	_ =	sfence.sel $0x180000  }
0x13b: {  	[bflag:$0x0] =	sbarrier.arrive $0xFFFF  }
0x13c: {  	_ =	strace $0x90000047  }
0x13d: {  	s31 =	stileid.u32;
	[bflag:$0x2] =	sbarrier.arrive $0xFFFF  }
0x13e: {  	p0 =	sne.s32 s31, $0x0;
	s0 =	rddreg [dreg:$0x2]  }
0x13f: {  	s0 =	sadd.s32 @!p0 $0x100000, s0  }
0x140: {  	[sflag:s0] =	ssyncadd.tile.s32 @!p0 $0x1;
	_ =	shalt  }
.Lfunc_end2:
_tile_overlayer_lowered:
.L_overlay_start_2:
0x141: {  	(tag) =	ssettag $0x2  }
0x142: {  	s0 =	rddreg [dreg:$0x0];
	s2 =	stileid.u32  }
0x143: {  	s1 =	rddreg [dreg:$0x1];
	p0 =	sne.s32 s2, $0x0  }
0x144: {  	s3 =	rddreg [dreg:$0x2];
	[bflag:$0x3] =	sbarrier.arrive $0xFFFF;
	s2 =	simm.s32 @!p0 $0x1C02  }
0x145: {  	[timem:s3], [sflag:s2] =	dma.local @!p0 [hbm:s0], s1  }
0x146: {  	s0 =	simm.s32 @!p0 $0x2  }
0x147: {  	_ =	swait.ge @!p0 [sflag:s0], s1  }
0x148: {  	s1 =	ssub.s32 @!p0 $0x0, s1;
	[sflag:s0] =	ssyncset.done @!p0 $0x0  }
0x149: {  	[sflag:s0] =	ssyncadd.s32 @!p0 s1  }
0x14a: {  	[bflag:$0x3] =	sbarrier.arrive $0xFFFF  }
0x14b: {  	_ =	shalt  }

</sc_bundles>
